<compile_context>
chip_gen: v7x
topology: tpu7x:2x2x1
jax: 0.10.2.dev20260603
libtpu: 0.0.44.dev20260713+nightly
codegen_flags: <defaults>
</compile_context>

<pallas_src>
import functools

import jax
import jax.numpy as jnp
from jax import lax
from jax.experimental import pallas as pl
from jax.experimental.pallas import tpu as pltpu
from jax.experimental.pallas import tpu_sc as plsc

_B = 64
_P = 576
_S = _P + 1
_D = 192
_GRID = 24.0
_HALF = (_GRID - 1.0) / 2.0
_NB = 1


def _sc_gather(avgs2d, std2d, ids):
    row_w = avgs2d.shape[1]
    mesh = plsc.VectorSubcoreMesh(core_axis_name="c", subcore_axis_name="s")

    @functools.partial(
        pl.kernel,
        mesh=mesh,
        out_type=(
            jax.ShapeDtypeStruct((_B, row_w), jnp.float32),
            jax.ShapeDtypeStruct((_B, row_w), jnp.float32),
        ),
        scratch_types=[
            pltpu.VMEM((_B,), jnp.int32),
            pltpu.VMEM((16, row_w), jnp.float32),
            pltpu.SemaphoreType.DMA,
        ],
    )
    def gather_kernel(avgs_hbm, std_hbm, ids_hbm, a_out, sd_out, ids_v, rows_v, sem):
        cid = lax.axis_index("c")
        sid = lax.axis_index("s")
        wid = sid * 2 + cid

        @pl.when(wid < 8)
        def _():
            pltpu.sync_copy(ids_hbm, ids_v)
            base = pl.multiple_of(lax.rem(wid, 4) * 16, 16)
            idx = ids_v[pl.ds(base, 16)]

            @pl.when(wid < 4)
            def _():
                pltpu.async_copy(avgs_hbm.at[idx], rows_v, sem).wait()
                pltpu.sync_copy(rows_v, a_out.at[pl.ds(base, 16)])

            @pl.when(wid >= 4)
            def _():
                pltpu.async_copy(std_hbm.at[idx], rows_v, sem).wait()
                pltpu.sync_copy(rows_v, sd_out.at[pl.ds(base, 16)])

    return gather_kernel(avgs2d, std2d, ids)


def _tc_body(x_ref, wq_ref, wk_ref, wv_ref, bq_ref, bk_ref, bv_ref,
             a_ref, sd_ref, nrm_ref, o_ref):
    f32 = jnp.float32

    def dot_t(lhs, rhs, prec=None):
        return lax.dot_general(lhs, rhs, (((1,), (1,)), ((), ())),
                               precision=prec, preferred_element_type=f32)

    def dot(lhs, rhs, prec=None):
        return lax.dot_general(lhs, rhs, (((1,), (0,)), ((), ())),
                               precision=prec, preferred_element_type=f32)

    for im in range(_NB):
        _one_image(im, x_ref, wq_ref, wk_ref, wv_ref, bq_ref, bk_ref,
                   bv_ref, a_ref, sd_ref, nrm_ref, o_ref, dot_t, dot)


def _one_image(im, x_ref, wq_ref, wk_ref, wv_ref, bq_ref, bk_ref, bv_ref,
               a_ref, sd_ref, nrm_ref, o_ref, dot_t, dot):
    f32 = jnp.float32
    xb = x_ref[im]

    q = dot_t(xb, wq_ref[...]) + bq_ref[...]
    k = dot_t(xb, wk_ref[...]) + bk_ref[...]
    v = dot_t(xb, wv_ref[...]) + bv_ref[...]

    rows6 = jnp.concatenate([a_ref[im], sd_ref[im], nrm_ref[im]], axis=0)
    cols6 = jnp.transpose(rows6)
    a2 = cols6[:, 0:2]
    s2 = cols6[:, 2:4]
    n2 = cols6[:, 4:6]

    key2 = _HALF * (1.0 + jnp.tanh((n2 + a2) * s2))
    kc = jnp.ceil(key2)
    kf = jnp.floor(key2)
    wc = 1.0 - jnp.abs(kc - key2)
    wf = 1.0 - jnp.abs(kf - key2)
    kx1 = kc[:, 0:1]
    ky1 = kc[:, 1:2]
    kx2 = kf[:, 0:1]
    ky2 = kf[:, 1:2]
    wx1 = wc[:, 0:1]
    wy1 = wc[:, 1:2]
    wx2 = wf[:, 0:1]
    wy2 = wf[:, 1:2]

    qp = q[1:_S]
    kp = k[0:_P]
    vp = v[0:_P]

    lane = lax.broadcasted_iota(jnp.int32, (_P, _P), 1)
    bf16 = jnp.bfloat16
    qh = qp.astype(bf16)
    ql = (qp - qh.astype(f32)).astype(bf16)
    kh = kp.astype(bf16)
    kl = (kp - kh.astype(f32)).astype(bf16)
    qcat = jnp.concatenate([qh, qh, ql], axis=1)
    kcat = jnp.concatenate([kh, kl, kh], axis=1)
    acc = dot_t(qcat, kcat)
    zero = jnp.zeros((), f32)
    cmps = []
    scores = []
    for ky_, kx_ in ((ky1, kx1), (ky1, kx2), (ky2, kx1), (ky2, kx2)):
        idx = (_GRID * ky_ + kx_).astype(jnp.int32)
        cmp = idx == lane
        cmps.append(cmp)
        scores.append(jnp.sum(jnp.where(cmp, acc, zero), axis=1,
                              keepdims=True))

    m = jnp.maximum(jnp.maximum(scores[0], scores[1]),
                    jnp.maximum(scores[2], scores[3]))
    es = [jnp.exp(s - m) for s in scores]
    den = es[0] + es[1] + es[2] + es[3]
    wbil = (wy1 * wx1, wy1 * wx2, wy2 * wx1, wy2 * wx2)

    msel = None
    for e, w, cmp in zip(es, wbil, cmps):
        c = (e / den) * w
        term = jnp.where(cmp, c, zero)
        msel = term if msel is None else msel + term

    outp = dot(msel, vp, None)
    o_ref[im] = jnp.concatenate([jnp.ones((1, _D), f32), outp], axis=0)


def _tc_attention(x, Wq, Wk, Wv, bq, bk, bv, a_t, sd_t, nrm):
    return pl.pallas_call(
        _tc_body,
        grid=(_B // _NB,),
        in_specs=[
            pl.BlockSpec((_NB, _S, _D), lambda b: (b, 0, 0)),
            pl.BlockSpec((_D, _D), lambda b: (0, 0)),
            pl.BlockSpec((_D, _D), lambda b: (0, 0)),
            pl.BlockSpec((_D, _D), lambda b: (0, 0)),
            pl.BlockSpec((1, _D), lambda b: (0, 0)),
            pl.BlockSpec((1, _D), lambda b: (0, 0)),
            pl.BlockSpec((1, _D), lambda b: (0, 0)),
            pl.BlockSpec((_NB, 2, _P), lambda b: (b, 0, 0)),
            pl.BlockSpec((_NB, 2, _P), lambda b: (b, 0, 0)),
            pl.BlockSpec((_NB, 2, _P), lambda b: (b, 0, 0)),
        ],
        out_specs=pl.BlockSpec((_NB, _S, _D), lambda b: (b, 0, 0)),
        out_shape=jax.ShapeDtypeStruct((_B, _S, _D), jnp.float32),
        compiler_params=pltpu.CompilerParams(
            dimension_semantics=("arbitrary",)),
    )(x, Wq, Wk, Wv, bq, bk, bv, a_t, sd_t, nrm)


_NRM_CACHE = None


def _make_norm():
    global _NRM_CACHE
    if _NRM_CACHE is None:
        nk = jax.random.key(42)
        norm_x = jax.random.normal(jax.random.fold_in(nk, 0), (_B, _P),
                                   jnp.float32)
        norm_y = jax.random.normal(jax.random.fold_in(nk, 1), (_B, _P),
                                   jnp.float32)
        _NRM_CACHE = jnp.stack([norm_x, norm_y], axis=1)
    return _NRM_CACHE


def kernel(x, img_ids, mask, Wq, bq, Wk, bk, Wv, bv, avgs, std_devs):
    del mask
    n_img = avgs.shape[0]
    avgs2d = avgs.reshape(n_img, 2 * _P)
    std2d = std_devs.reshape(n_img, 2 * _P)
    ids = img_ids.astype(jnp.int32)

    a_rows, sd_rows = _sc_gather(avgs2d, std2d, ids)

    return _tc_attention(x, Wq, Wk, Wv,
                         bq.reshape(1, _D), bk.reshape(1, _D), bv.reshape(1, _D),
                         a_rows.reshape(_B, 2, _P), sd_rows.reshape(_B, 2, _P),
                         _make_norm())

# --- scband reference (transcript-rebuilt; emitter-appended) ---
"""Pipeline reference for scband-gaussian-self-attention-80195629351263 (READ-ONLY COPY).

The authoritative reference and input builder live on the scoring server;
editing this copy changes nothing except your own understanding.
"""

import jax, jax.numpy as jnp
import numpy as np

B = 64
P = 576
S = P + 1
DIM = 192
I = 10000
SIGMA = 1.0


def setup_inputs(seed: int = 0) -> dict:
    key = jax.random.key(seed)
    ks = jax.random.split(key, 8)
    x = jax.random.normal(ks[0], (B, S, DIM), dtype=jnp.float32)
    img_ids = jax.random.randint(ks[1], (B,), 0, I, dtype=jnp.int64 if jax.config.jax_enable_x64 else jnp.int32)
    mask = jnp.ones((B, S), dtype=jnp.bool_)
    sc = 1.0 / np.sqrt(DIM)
    Wq = jax.random.normal(ks[2], (DIM, DIM), dtype=jnp.float32) * sc
    Wk = jax.random.normal(ks[3], (DIM, DIM), dtype=jnp.float32) * sc
    Wv = jax.random.normal(ks[4], (DIM, DIM), dtype=jnp.float32) * sc
    bq = jnp.zeros((DIM,), dtype=jnp.float32)
    bk = jnp.zeros((DIM,), dtype=jnp.float32)
    bv = jnp.zeros((DIM,), dtype=jnp.float32)
    avgs = jnp.zeros((I, 2, P), dtype=jnp.float32)
    std_devs = jnp.ones((I, 2, P), dtype=jnp.float32)
    return {"x": x, "img_ids": img_ids, "mask": mask, "Wq": Wq, "bq": bq, "Wk": Wk, "bk": bk, "Wv": Wv, "bv": bv, "avgs": avgs, "std_devs": std_devs}


def reference(x, img_ids, mask, Wq, bq, Wk, bk, Wv, bv, avgs, std_devs):
    grid = np.sqrt(avgs.shape[2])  # 24.0
    q = x @ Wq.T + bq
    k = x @ Wk.T + bk
    v = x @ Wv.T + bv
    a = avgs[img_ids]        # [B, 2, P] gather of per-image params
    sd = std_devs[img_ids]   # [B, 2, P]
    nk = jax.random.key(42)
    norm_x = jax.random.normal(jax.random.fold_in(nk, 0), (x.shape[0], avgs.shape[2]), dtype=jnp.float32) * SIGMA
    norm_y = jax.random.normal(jax.random.fold_in(nk, 1), (x.shape[0], avgs.shape[2]), dtype=jnp.float32) * SIGMA
    key_x = (grid - 1) / 2 * (1.0 + jnp.tanh((norm_x + a[:, 0]) * sd[:, 0]))  # [B, P]
    key_y = (grid - 1) / 2 * (1.0 + jnp.tanh((norm_y + a[:, 1]) * sd[:, 1]))  # [B, P]
    kx1 = jnp.ceil(key_x)
    kx2 = jnp.floor(key_x)
    ky1 = jnp.ceil(key_y)
    ky2 = jnp.floor(key_y)
    def to_idx(ky, kx):
        return jax.lax.stop_gradient(grid * ky + kx).astype(jnp.int32)
    idxs = [to_idx(ky1, kx1), to_idx(ky1, kx2), to_idx(ky2, kx1), to_idx(ky2, kx2)]
    gather = jax.vmap(lambda t, i: t[i])  # per-image patch gather
    sk = jnp.stack([gather(k, ii) for ii in idxs], axis=1)  # [B, 4, P, D]
    sv = jnp.stack([gather(v, ii) for ii in idxs], axis=1)  # [B, 4, P, D]
    cls = jnp.ones((x.shape[0], 4, 1, x.shape[2]), dtype=x.dtype)
    sk = jnp.concatenate([cls, sk], axis=2)  # [B, 4, S, D]
    sv = jnp.concatenate([cls, sv], axis=2)  # [B, 4, S, D]
    score = jnp.einsum('bisd,bsd->bsi', sk, q)  # [B, S, 4]
    attw = jax.nn.softmax(score, axis=2)        # softmax over the 4 bilinear samples
    attn = jnp.transpose(attw, (0, 2, 1))[..., None] * sv  # [B, 4, S, D]
    def bil(px, py):
        return (1.0 - jnp.abs(px - key_x)) * (1.0 - jnp.abs(py - key_y))  # [B, P]
    ws = [bil(kx1, ky1), bil(kx2, ky1), bil(kx1, ky2), bil(kx2, ky2)]
    one = jnp.ones((x.shape[0], 1), dtype=x.dtype)
    out = jnp.zeros_like(attn[:, 0])
    for i in range(4):
        wf = jnp.concatenate([one, ws[i]], axis=1)  # [B, S]
        out = out + wf[:, :, None] * attn[:, i]
    return out  # [B, S, D]

if __name__ == "__main__":
    import jax
    _d = setup_inputs()
    print(jax.jit(kernel)(*tuple(_d.values())))

</pallas_src>

<mosaic_0001>
#map = affine_map<(d0, d1) -> (0, 0)>
#map1 = affine_map<(d0, d1) -> (0)>
module attributes {stable_mosaic.version = 14 : i64} {
  func.func @gather_kernel(%arg0: i32, %arg1: i32, %arg2: memref<10000x1152xf32, #tpu.memory_space<hbm>>, %arg3: memref<10000x1152xf32, #tpu.memory_space<hbm>>, %arg4: memref<64xi32, #tpu.memory_space<hbm>>, %arg5: memref<64x1152xf32, #tpu.memory_space<hbm>>, %arg6: memref<64x1152xf32, #tpu.memory_space<hbm>>, %arg7: memref<64xi32, #tpu.memory_space<vmem>>, %arg8: memref<16x1152xf32, #tpu.memory_space<vmem>>, %arg9: memref<!tpu.dma_semaphore, #tpu.memory_space<semaphore_mem>>) attributes {dimension_semantics = [#tpu.dimension_semantics<core_parallel>, #tpu.dimension_semantics<subcore_parallel>], iteration_bounds = array<i64: 2, 16>, scalar_prefetch = 0 : i64, scratch_operands = 3 : i64, tpu.core_type = #tpu.core_type<sc_vector_subcore>, window_params = [{transform_indices = #map}, {transform_indices = #map}, {transform_indices = #map1}, {transform_indices = #map}, {transform_indices = #map}]} {
    %mul3A = arith.constant 2 : i32
    %mul3A_0 = arith.muli %arg1, %mul3A : i32
    %add3A = arith.addi %mul3A_0, %arg0 : i32
    %lt3A = arith.constant 8 : i32
    %lt3A_1 = arith.cmpi slt, %add3A, %lt3A : i32
    %convert_element_type3A = arith.extui %lt3A_1 : i1 to i32
    %cond3A = arith.constant 0 : i32
    %cond3A_2 = arith.cmpi ne, %convert_element_type3A, %cond3A : i32
    scf.if %cond3A_2 {
      "tpu.region"() ({
        %run_scoped3A = tpu.sem_alloc : memref<!tpu.dma_semaphore, #tpu.memory_space<semaphore_mem>>
        tpu.enqueue_dma source(%arg4 : memref<64xi32, #tpu.memory_space<hbm>>) target(%arg7 : memref<64xi32, #tpu.memory_space<vmem>>) target_semaphore(%run_scoped3A : memref<!tpu.dma_semaphore, #tpu.memory_space<semaphore_mem>>)
        tpu.wait_dma2 semaphore(%run_scoped3A : memref<!tpu.dma_semaphore, #tpu.memory_space<semaphore_mem>>) src(%arg4 : memref<64xi32, #tpu.memory_space<hbm>>) dst(%arg7 : memref<64xi32, #tpu.memory_space<vmem>>)
        tpu.yield
      }) : () -> ()
      %rem3A = arith.constant 4 : i32
      %rem3A_3 = arith.remsi %add3A, %rem3A : i32
      %mul3A_4 = arith.constant 16 : i32
      %mul3A_5 = arith.muli %rem3A_3, %mul3A_4 : i32
      %multiple_of3A = tpu.assume_multiple %mul3A_5, 16 : i32
      %get3A = arith.index_cast %multiple_of3A : i32 to index
      %get3A_6 = tpu.vector_load %arg7[%get3A] {strides = array<i32>} : memref<64xi32, #tpu.memory_space<vmem>>, vector<16xi32>,
      %get3A_7 = vector.shape_cast %get3A_6 : vector<16xi32> to vector<16xi32>
      %lt3A_8 = arith.constant 4 : i32
      %lt3A_9 = arith.cmpi slt, %add3A, %lt3A_8 : i32
      %convert_element_type3A_10 = arith.extui %lt3A_9 : i1 to i32
      %cond3A_11 = arith.constant 0 : i32
      %cond3A_12 = arith.cmpi ne, %convert_element_type3A_10, %cond3A_11 : i32
      scf.if %cond3A_12 {
        %dma_start3A = arith.constant 0 : i32
        %dma_start3A_17 = arith.constant 0 : i32
        %dma_start3A_18 = tpu.memref_slice %arg2[%dma_start3A, %dma_start3A_17] : memref<10000x1152xf32, #tpu.memory_space<hbm>> -> memref<10000x1152xf32, #tpu.memory_space<hbm>>
        tpu.enqueue_indirect_dma source(%dma_start3A_18 : memref<10000x1152xf32, #tpu.memory_space<hbm>>) target(%arg8 : memref<16x1152xf32, #tpu.memory_space<vmem>>) offsets(%get3A_7 : vector<16xi32>) semaphore(%arg9 : memref<!tpu.dma_semaphore, #tpu.memory_space<semaphore_mem>>)
        %dma_wait3A = arith.constant 0 : i32
        %dma_wait3A_19 = arith.constant 0 : i32
        %dma_wait3A_20 = tpu.memref_slice %arg2[%dma_wait3A, %dma_wait3A_19] : memref<10000x1152xf32, #tpu.memory_space<hbm>> -> memref<10000x1152xf32, #tpu.memory_space<hbm>>
        tpu.wait_indirect_dma semaphore(%arg9 : memref<!tpu.dma_semaphore, #tpu.memory_space<semaphore_mem>>) src(%dma_wait3A_20 : memref<10000x1152xf32, #tpu.memory_space<hbm>>) dst(%arg8 : memref<16x1152xf32, #tpu.memory_space<vmem>>)
        "tpu.region"() ({
          %run_scoped3A = tpu.sem_alloc : memref<!tpu.dma_semaphore, #tpu.memory_space<semaphore_mem>>
          %dma_start3A_21 = arith.constant 0 : i32
          %dma_start3A_22 = tpu.memref_slice %arg5[%multiple_of3A, %dma_start3A_21] : memref<64x1152xf32, #tpu.memory_space<hbm>> -> memref<16x1152xf32, #tpu.memory_space<hbm>>
          %dma_start3A_23 = arith.constant 0 : i32
          %dma_start3A_24 = tpu.memref_slice %arg5[%multiple_of3A, %dma_start3A_23] : memref<64x1152xf32, #tpu.memory_space<hbm>> -> memref<16x1152xf32, #tpu.memory_space<hbm>>
          tpu.enqueue_dma source(%arg8 : memref<16x1152xf32, #tpu.memory_space<vmem>>) target(%dma_start3A_24 : memref<16x1152xf32, #tpu.memory_space<hbm>>) target_semaphore(%run_scoped3A : memref<!tpu.dma_semaphore, #tpu.memory_space<semaphore_mem>>)
          %dma_wait3A_25 = arith.constant 0 : i32
          %dma_wait3A_26 = tpu.memref_slice %arg5[%multiple_of3A, %dma_wait3A_25] : memref<64x1152xf32, #tpu.memory_space<hbm>> -> memref<16x1152xf32, #tpu.memory_space<hbm>>
          %dma_wait3A_27 = arith.constant 0 : i32
          %dma_wait3A_28 = tpu.memref_slice %arg5[%multiple_of3A, %dma_wait3A_27] : memref<64x1152xf32, #tpu.memory_space<hbm>> -> memref<16x1152xf32, #tpu.memory_space<hbm>>
          tpu.wait_dma2 semaphore(%run_scoped3A : memref<!tpu.dma_semaphore, #tpu.memory_space<semaphore_mem>>) src(%arg8 : memref<16x1152xf32, #tpu.memory_space<vmem>>) dst(%dma_wait3A_28 : memref<16x1152xf32, #tpu.memory_space<hbm>>)
          tpu.yield
        }) : () -> ()
      } else {
      }
      %ge3A = arith.constant 4 : i32
      %ge3A_13 = arith.cmpi sge, %add3A, %ge3A : i32
      %convert_element_type3A_14 = arith.extui %ge3A_13 : i1 to i32
      %cond3A_15 = arith.constant 0 : i32
      %cond3A_16 = arith.cmpi ne, %convert_element_type3A_14, %cond3A_15 : i32
      scf.if %cond3A_16 {
        %dma_start3A = arith.constant 0 : i32
        %dma_start3A_17 = arith.constant 0 : i32
        %dma_start3A_18 = tpu.memref_slice %arg3[%dma_start3A, %dma_start3A_17] : memref<10000x1152xf32, #tpu.memory_space<hbm>> -> memref<10000x1152xf32, #tpu.memory_space<hbm>>
        tpu.enqueue_indirect_dma source(%dma_start3A_18 : memref<10000x1152xf32, #tpu.memory_space<hbm>>) target(%arg8 : memref<16x1152xf32, #tpu.memory_space<vmem>>) offsets(%get3A_7 : vector<16xi32>) semaphore(%arg9 : memref<!tpu.dma_semaphore, #tpu.memory_space<semaphore_mem>>)
        %dma_wait3A = arith.constant 0 : i32
        %dma_wait3A_19 = arith.constant 0 : i32
        %dma_wait3A_20 = tpu.memref_slice %arg3[%dma_wait3A, %dma_wait3A_19] : memref<10000x1152xf32, #tpu.memory_space<hbm>> -> memref<10000x1152xf32, #tpu.memory_space<hbm>>
        tpu.wait_indirect_dma semaphore(%arg9 : memref<!tpu.dma_semaphore, #tpu.memory_space<semaphore_mem>>) src(%dma_wait3A_20 : memref<10000x1152xf32, #tpu.memory_space<hbm>>) dst(%arg8 : memref<16x1152xf32, #tpu.memory_space<vmem>>)
        "tpu.region"() ({
          %run_scoped3A = tpu.sem_alloc : memref<!tpu.dma_semaphore, #tpu.memory_space<semaphore_mem>>
          %dma_start3A_21 = arith.constant 0 : i32
          %dma_start3A_22 = tpu.memref_slice %arg6[%multiple_of3A, %dma_start3A_21] : memref<64x1152xf32, #tpu.memory_space<hbm>> -> memref<16x1152xf32, #tpu.memory_space<hbm>>
          %dma_start3A_23 = arith.constant 0 : i32
          %dma_start3A_24 = tpu.memref_slice %arg6[%multiple_of3A, %dma_start3A_23] : memref<64x1152xf32, #tpu.memory_space<hbm>> -> memref<16x1152xf32, #tpu.memory_space<hbm>>
          tpu.enqueue_dma source(%arg8 : memref<16x1152xf32, #tpu.memory_space<vmem>>) target(%dma_start3A_24 : memref<16x1152xf32, #tpu.memory_space<hbm>>) target_semaphore(%run_scoped3A : memref<!tpu.dma_semaphore, #tpu.memory_space<semaphore_mem>>)
          %dma_wait3A_25 = arith.constant 0 : i32
          %dma_wait3A_26 = tpu.memref_slice %arg6[%multiple_of3A, %dma_wait3A_25] : memref<64x1152xf32, #tpu.memory_space<hbm>> -> memref<16x1152xf32, #tpu.memory_space<hbm>>
          %dma_wait3A_27 = arith.constant 0 : i32
          %dma_wait3A_28 = tpu.memref_slice %arg6[%multiple_of3A, %dma_wait3A_27] : memref<64x1152xf32, #tpu.memory_space<hbm>> -> memref<16x1152xf32, #tpu.memory_space<hbm>>
          tpu.wait_dma2 semaphore(%run_scoped3A : memref<!tpu.dma_semaphore, #tpu.memory_space<semaphore_mem>>) src(%arg8 : memref<16x1152xf32, #tpu.memory_space<vmem>>) dst(%dma_wait3A_28 : memref<16x1152xf32, #tpu.memory_space<hbm>>)
          tpu.yield
        }) : () -> ()
      } else {
      }
    } else {
    }
    return
  }
}

module attributes {stable_mosaic.version = 14 : i64} {
  func.func @_tc_body(%arg0: i32, %arg1: memref<1x577x192xf32, #tpu.memory_space<vmem>>, %arg2: memref<192x192xf32, #tpu.memory_space<vmem>>, %arg3: memref<192x192xf32, #tpu.memory_space<vmem>>, %arg4: memref<192x192xf32, #tpu.memory_space<vmem>>, %arg5: memref<1x192xf32, #tpu.memory_space<vmem>>, %arg6: memref<1x192xf32, #tpu.memory_space<vmem>>, %arg7: memref<1x192xf32, #tpu.memory_space<vmem>>, %arg8: memref<1x2x576xf32, #tpu.memory_space<vmem>>, %arg9: memref<1x2x576xf32, #tpu.memory_space<vmem>>, %arg10: memref<1x2x576xf32, #tpu.memory_space<vmem>>, %arg11: memref<1x577x192xf32, #tpu.memory_space<vmem>>) attributes {dimension_semantics = [#tpu.dimension_semantics<arbitrary>], iteration_bounds = array<i64: 64>, scalar_prefetch = 0 : i64, scratch_operands = 0 : i64, tpu.core_type = #tpu.core_type<tc>, window_params = [{transform_indices = @transform_0, window_bounds = array<i64: 1, 577, 192>}, {pipeline_mode = #tpu.pipeline_mode<synchronous>, transform_indices = @transform_1, window_bounds = array<i64: 192, 192>}, {pipeline_mode = #tpu.pipeline_mode<synchronous>, transform_indices = @transform_2, window_bounds = array<i64: 192, 192>}, {pipeline_mode = #tpu.pipeline_mode<synchronous>, transform_indices = @transform_3, window_bounds = array<i64: 192, 192>}, {pipeline_mode = #tpu.pipeline_mode<synchronous>, transform_indices = @transform_4, window_bounds = array<i64: 1, 192>}, {pipeline_mode = #tpu.pipeline_mode<synchronous>, transform_indices = @transform_5, window_bounds = array<i64: 1, 192>}, {pipeline_mode = #tpu.pipeline_mode<synchronous>, transform_indices = @transform_6, window_bounds = array<i64: 1, 192>}, {transform_indices = @transform_7, window_bounds = array<i64: 1, 2, 576>}, {transform_indices = @transform_8, window_bounds = array<i64: 1, 2, 576>}, {transform_indices = @transform_9, window_bounds = array<i64: 1, 2, 576>}, {transform_indices = @transform_10, window_bounds = array<i64: 1, 577, 192>}]} {
    %get3A = arith.constant 0 : index
    %get3A_0 = arith.constant 0 : index
    %get3A_1 = arith.constant 0 : index
    %get3A_2 = vector.load %arg1[%get3A, %get3A_0, %get3A_1] : memref<1x577x192xf32, #tpu.memory_space<vmem>>, vector<1x577x192xf32>
    %get3A_3 = vector.shape_cast %get3A_2 : vector<1x577x192xf32> to vector<577x192xf32>
    %get3A_4 = arith.constant 0 : index
    %get3A_5 = arith.constant 0 : index
    %get3A_6 = vector.load %arg2[%get3A_4, %get3A_5] : memref<192x192xf32, #tpu.memory_space<vmem>>, vector<192x192xf32>
    %dot_general3A = arith.constant dense<0.000000e+00> : vector<577x192xf32>
    %dot_general3A_7 = tpu.matmul %get3A_3, %get3A_6, %dot_general3A {dimension_numbers = #tpu.dot_dimension_numbers<[1], [1], [0], [0], [0, 0, 1, 0], [], []>, transpose_lhs_hint = false} : vector<577x192xf32>, vector<192x192xf32>, vector<577x192xf32> -> vector<577x192xf32>
    %get3A_8 = arith.constant 0 : index
    %get3A_9 = arith.constant 0 : index
    %get3A_10 = vector.load %arg5[%get3A_8, %get3A_9] : memref<1x192xf32, #tpu.memory_space<vmem>>, vector<1x192xf32>
    %add3A = vector.broadcast %get3A_10 : vector<1x192xf32> to vector<577x192xf32>
    %add3A_11 = arith.addf %dot_general3A_7, %add3A : vector<577x192xf32>
    %get3A_12 = arith.constant 0 : index
    %get3A_13 = arith.constant 0 : index
    %get3A_14 = vector.load %arg3[%get3A_12, %get3A_13] : memref<192x192xf32, #tpu.memory_space<vmem>>, vector<192x192xf32>
    %dot_general3A_15 = arith.constant dense<0.000000e+00> : vector<577x192xf32>
    %dot_general3A_16 = tpu.matmul %get3A_3, %get3A_14, %dot_general3A_15 {dimension_numbers = #tpu.dot_dimension_numbers<[1], [1], [0], [0], [0, 0, 1, 0], [], []>, transpose_lhs_hint = false} : vector<577x192xf32>, vector<192x192xf32>, vector<577x192xf32> -> vector<577x192xf32>
    %get3A_17 = arith.constant 0 : index
    %get3A_18 = arith.constant 0 : index
    %get3A_19 = vector.load %arg6[%get3A_17, %get3A_18] : memref<1x192xf32, #tpu.memory_space<vmem>>, vector<1x192xf32>
    %add3A_20 = vector.broadcast %get3A_19 : vector<1x192xf32> to vector<577x192xf32>
    %add3A_21 = arith.addf %dot_general3A_16, %add3A_20 : vector<577x192xf32>
    %get3A_22 = arith.constant 0 : index
    %get3A_23 = arith.constant 0 : index
    %get3A_24 = vector.load %arg4[%get3A_22, %get3A_23] : memref<192x192xf32, #tpu.memory_space<vmem>>, vector<192x192xf32>
    %dot_general3A_25 = arith.constant dense<0.000000e+00> : vector<577x192xf32>
    %dot_general3A_26 = tpu.matmul %get3A_3, %get3A_24, %dot_general3A_25 {dimension_numbers = #tpu.dot_dimension_numbers<[1], [1], [0], [0], [0, 0, 1, 0], [], []>, transpose_lhs_hint = false} : vector<577x192xf32>, vector<192x192xf32>, vector<577x192xf32> -> vector<577x192xf32>
    %get3A_27 = arith.constant 0 : index
    %get3A_28 = arith.constant 0 : index
    %get3A_29 = vector.load %arg7[%get3A_27, %get3A_28] : memref<1x192xf32, #tpu.memory_space<vmem>>, vector<1x192xf32>
    %add3A_30 = vector.broadcast %get3A_29 : vector<1x192xf32> to vector<577x192xf32>
    %add3A_31 = arith.addf %dot_general3A_26, %add3A_30 : vector<577x192xf32>
    %get3A_32 = arith.constant 0 : index
    %get3A_33 = arith.constant 0 : index
    %get3A_34 = arith.constant 0 : index
    %get3A_35 = vector.load %arg8[%get3A_32, %get3A_33, %get3A_34] : memref<1x2x576xf32, #tpu.memory_space<vmem>>, vector<1x2x576xf32>
    %get3A_36 = vector.shape_cast %get3A_35 : vector<1x2x576xf32> to vector<2x576xf32>
    %get3A_37 = arith.constant 0 : index
    %get3A_38 = arith.constant 0 : index
    %get3A_39 = arith.constant 0 : index
    %get3A_40 = vector.load %arg9[%get3A_37, %get3A_38, %get3A_39] : memref<1x2x576xf32, #tpu.memory_space<vmem>>, vector<1x2x576xf32>
    %get3A_41 = vector.shape_cast %get3A_40 : vector<1x2x576xf32> to vector<2x576xf32>
    %get3A_42 = arith.constant 0 : index
    %get3A_43 = arith.constant 0 : index
    %get3A_44 = arith.constant 0 : index
    %get3A_45 = vector.load %arg10[%get3A_42, %get3A_43, %get3A_44] : memref<1x2x576xf32, #tpu.memory_space<vmem>>, vector<1x2x576xf32>
    %get3A_46 = vector.shape_cast %get3A_45 : vector<1x2x576xf32> to vector<2x576xf32>
    %concatenate3A = tpu.concatenate %get3A_36, %get3A_41, %get3A_46 in 0 : vector<2x576xf32>, vector<2x576xf32>, vector<2x576xf32> -> vector<6x576xf32>
    %transpose3A = tpu.transpose %concatenate3A, [1, 0] : vector<6x576xf32> -> vector<576x6xf32>
    %slice3A = vector.extract_strided_slice %transpose3A {offsets = [0, 0], sizes = [576, 2], strides = [1, 1]} : vector<576x6xf32> to vector<576x2xf32>
    %slice3A_47 = vector.extract_strided_slice %transpose3A {offsets = [0, 2], sizes = [576, 2], strides = [1, 1]} : vector<576x6xf32> to vector<576x2xf32>
    %slice3A_48 = vector.extract_strided_slice %transpose3A {offsets = [0, 4], sizes = [576, 2], strides = [1, 1]} : vector<576x6xf32> to vector<576x2xf32>
    %add3A_49 = arith.addf %slice3A_48, %slice3A : vector<576x2xf32>
    %mul3A = arith.mulf %add3A_49, %slice3A_47 : vector<576x2xf32>
    %tanh3A = math.tanh %mul3A : vector<576x2xf32>
    %add3A_50 = arith.constant 1.000000e+00 : f32
    %add3A_51 = vector.broadcast %add3A_50 : f32 to vector<576x2xf32>
    %add3A_52 = arith.addf %add3A_51, %tanh3A : vector<576x2xf32>
    %mul3A_53 = arith.constant 1.150000e+01 : f32
    %mul3A_54 = vector.broadcast %mul3A_53 : f32 to vector<576x2xf32>
    %mul3A_55 = arith.mulf %mul3A_54, %add3A_52 : vector<576x2xf32>
    %ceil3A = math.ceil %mul3A_55 : vector<576x2xf32>
    %floor3A = math.floor %mul3A_55 : vector<576x2xf32>
    %sub3A = arith.subf %ceil3A, %mul3A_55 : vector<576x2xf32>
    %abs3A = math.absf %sub3A : vector<576x2xf32>
    %sub3A_56 = arith.constant 1.000000e+00 : f32
    %sub3A_57 = vector.broadcast %sub3A_56 : f32 to vector<576x2xf32>
    %sub3A_58 = arith.subf %sub3A_57, %abs3A : vector<576x2xf32>
    %sub3A_59 = arith.subf %floor3A, %mul3A_55 : vector<576x2xf32>
    %abs3A_60 = math.absf %sub3A_59 : vector<576x2xf32>
    %sub3A_61 = arith.constant 1.000000e+00 : f32
    %sub3A_62 = vector.broadcast %sub3A_61 : f32 to vector<576x2xf32>
    %sub3A_63 = arith.subf %sub3A_62, %abs3A_60 : vector<576x2xf32>
    %slice3A_64 = vector.extract_strided_slice %ceil3A {offsets = [0, 0], sizes = [576, 1], strides = [1, 1]} : vector<576x2xf32> to vector<576x1xf32>
    %slice3A_65 = vector.extract_strided_slice %ceil3A {offsets = [0, 1], sizes = [576, 1], strides = [1, 1]} : vector<576x2xf32> to vector<576x1xf32>
    %slice3A_66 = vector.extract_strided_slice %floor3A {offsets = [0, 0], sizes = [576, 1], strides = [1, 1]} : vector<576x2xf32> to vector<576x1xf32>
    %slice3A_67 = vector.extract_strided_slice %floor3A {offsets = [0, 1], sizes = [576, 1], strides = [1, 1]} : vector<576x2xf32> to vector<576x1xf32>
    %slice3A_68 = vector.extract_strided_slice %sub3A_58 {offsets = [0, 0], sizes = [576, 1], strides = [1, 1]} : vector<576x2xf32> to vector<576x1xf32>
    %slice3A_69 = vector.extract_strided_slice %sub3A_58 {offsets = [0, 1], sizes = [576, 1], strides = [1, 1]} : vector<576x2xf32> to vector<576x1xf32>
    %slice3A_70 = vector.extract_strided_slice %sub3A_63 {offsets = [0, 0], sizes = [576, 1], strides = [1, 1]} : vector<576x2xf32> to vector<576x1xf32>
    %slice3A_71 = vector.extract_strided_slice %sub3A_63 {offsets = [0, 1], sizes = [576, 1], strides = [1, 1]} : vector<576x2xf32> to vector<576x1xf32>
    %slice3A_72 = vector.extract_strided_slice %add3A_11 {offsets = [1, 0], sizes = [576, 192], strides = [1, 1]} : vector<577x192xf32> to vector<576x192xf32>
    %slice3A_73 = vector.extract_strided_slice %add3A_21 {offsets = [0, 0], sizes = [576, 192], strides = [1, 1]} : vector<577x192xf32> to vector<576x192xf32>
    %slice3A_74 = vector.extract_strided_slice %add3A_31 {offsets = [0, 0], sizes = [576, 192], strides = [1, 1]} : vector<577x192xf32> to vector<576x192xf32>
    %iota3A = tpu.iota {dimensions = array<i32: 1>} : vector<576x576xi32>
    %convert_element_type3A = arith.truncf %slice3A_72 : vector<576x192xf32> to vector<576x192xbf16>
    %convert_element_type3A_75 = arith.extf %convert_element_type3A : vector<576x192xbf16> to vector<576x192xf32>
    %sub3A_76 = arith.subf %slice3A_72, %convert_element_type3A_75 : vector<576x192xf32>
    %convert_element_type3A_77 = arith.truncf %sub3A_76 : vector<576x192xf32> to vector<576x192xbf16>
    %convert_element_type3A_78 = arith.truncf %slice3A_73 : vector<576x192xf32> to vector<576x192xbf16>
    %convert_element_type3A_79 = arith.extf %convert_element_type3A_78 : vector<576x192xbf16> to vector<576x192xf32>
    %sub3A_80 = arith.subf %slice3A_73, %convert_element_type3A_79 : vector<576x192xf32>
    %convert_element_type3A_81 = arith.truncf %sub3A_80 : vector<576x192xf32> to vector<576x192xbf16>
    %concatenate3A_82 = tpu.concatenate %convert_element_type3A, %convert_element_type3A, %convert_element_type3A_77 in 1 : vector<576x192xbf16>, vector<576x192xbf16>, vector<576x192xbf16> -> vector<576x576xbf16>
    %concatenate3A_83 = tpu.concatenate %convert_element_type3A_78, %convert_element_type3A_81, %convert_element_type3A_78 in 1 : vector<576x192xbf16>, vector<576x192xbf16>, vector<576x192xbf16> -> vector<576x576xbf16>
    %dot_general3A_84 = arith.constant dense<0.000000e+00> : vector<576x576xf32>
    %dot_general3A_85 = tpu.matmul %concatenate3A_82, %concatenate3A_83, %dot_general3A_84 {dimension_numbers = #tpu.dot_dimension_numbers<[1], [1], [0], [0], [0, 0, 1, 0], [], []>, transpose_lhs_hint = false} : vector<576x576xbf16>, vector<576x576xbf16>, vector<576x576xf32> -> vector<576x576xf32>
    %mul3A_86 = arith.constant 2.400000e+01 : f32
    %mul3A_87 = vector.broadcast %mul3A_86 : f32 to vector<576x1xf32>
    %mul3A_88 = arith.mulf %mul3A_87, %slice3A_65 : vector<576x1xf32>
    %add3A_89 = arith.addf %mul3A_88, %slice3A_64 : vector<576x1xf32>
    %convert_element_type3A_90 = arith.fptosi %add3A_89 : vector<576x1xf32> to vector<576x1xi32>
    %eq3A = vector.broadcast %convert_element_type3A_90 : vector<576x1xi32> to vector<576x576xi32>
    %eq3A_91 = arith.cmpi eq, %eq3A, %iota3A : vector<576x576xi32>
    %jit3A = arith.constant 0.000000e+00 : f32
    %broadcast_in_dim3A = vector.broadcast %jit3A : f32 to vector<576x576xf32>
    %select_n3A = arith.select %eq3A_91, %dot_general3A_85, %broadcast_in_dim3A : vector<576x576xi1>, vector<576x576xf32>
    %reduce_sum3A = arith.constant dense<0.000000e+00> : vector<576xf32>
    %reduce_sum3A_92 = vector.multi_reduction <add>, %select_n3A, %reduce_sum3A [1] : vector<576x576xf32> to vector<576xf32>
    %broadcast_in_dim3A_93 = vector.shape_cast %reduce_sum3A_92 : vector<576xf32> to vector<576x1xf32>
    %mul3A_94 = arith.constant 2.400000e+01 : f32
    %mul3A_95 = vector.broadcast %mul3A_94 : f32 to vector<576x1xf32>
    %mul3A_96 = arith.mulf %mul3A_95, %slice3A_65 : vector<576x1xf32>
    %add3A_97 = arith.addf %mul3A_96, %slice3A_66 : vector<576x1xf32>
    %convert_element_type3A_98 = arith.fptosi %add3A_97 : vector<576x1xf32> to vector<576x1xi32>
    %eq3A_99 = vector.broadcast %convert_element_type3A_98 : vector<576x1xi32> to vector<576x576xi32>
    %eq3A_100 = arith.cmpi eq, %eq3A_99, %iota3A : vector<576x576xi32>
    %jit3A_101 = arith.constant 0.000000e+00 : f32
    %broadcast_in_dim3A_102 = vector.broadcast %jit3A_101 : f32 to vector<576x576xf32>
    %select_n3A_103 = arith.select %eq3A_100, %dot_general3A_85, %broadcast_in_dim3A_102 : vector<576x576xi1>, vector<576x576xf32>
    %reduce_sum3A_104 = arith.constant dense<0.000000e+00> : vector<576xf32>
    %reduce_sum3A_105 = vector.multi_reduction <add>, %select_n3A_103, %reduce_sum3A_104 [1] : vector<576x576xf32> to vector<576xf32>
    %broadcast_in_dim3A_106 = vector.shape_cast %reduce_sum3A_105 : vector<576xf32> to vector<576x1xf32>
    %mul3A_107 = arith.constant 2.400000e+01 : f32
    %mul3A_108 = vector.broadcast %mul3A_107 : f32 to vector<576x1xf32>
    %mul3A_109 = arith.mulf %mul3A_108, %slice3A_67 : vector<576x1xf32>
    %add3A_110 = arith.addf %mul3A_109, %slice3A_64 : vector<576x1xf32>
    %convert_element_type3A_111 = arith.fptosi %add3A_110 : vector<576x1xf32> to vector<576x1xi32>
    %eq3A_112 = vector.broadcast %convert_element_type3A_111 : vector<576x1xi32> to vector<576x576xi32>
    %eq3A_113 = arith.cmpi eq, %eq3A_112, %iota3A : vector<576x576xi32>
    %jit3A_114 = arith.constant 0.000000e+00 : f32
    %broadcast_in_dim3A_115 = vector.broadcast %jit3A_114 : f32 to vector<576x576xf32>
    %select_n3A_116 = arith.select %eq3A_113, %dot_general3A_85, %broadcast_in_dim3A_115 : vector<576x576xi1>, vector<576x576xf32>
    %reduce_sum3A_117 = arith.constant dense<0.000000e+00> : vector<576xf32>
    %reduce_sum3A_118 = vector.multi_reduction <add>, %select_n3A_116, %reduce_sum3A_117 [1] : vector<576x576xf32> to vector<576xf32>
    %broadcast_in_dim3A_119 = vector.shape_cast %reduce_sum3A_118 : vector<576xf32> to vector<576x1xf32>
    %mul3A_120 = arith.constant 2.400000e+01 : f32
    %mul3A_121 = vector.broadcast %mul3A_120 : f32 to vector<576x1xf32>
    %mul3A_122 = arith.mulf %mul3A_121, %slice3A_67 : vector<576x1xf32>
    %add3A_123 = arith.addf %mul3A_122, %slice3A_66 : vector<576x1xf32>
    %convert_element_type3A_124 = arith.fptosi %add3A_123 : vector<576x1xf32> to vector<576x1xi32>
    %eq3A_125 = vector.broadcast %convert_element_type3A_124 : vector<576x1xi32> to vector<576x576xi32>
    %eq3A_126 = arith.cmpi eq, %eq3A_125, %iota3A : vector<576x576xi32>
    %jit3A_127 = arith.constant 0.000000e+00 : f32
    %broadcast_in_dim3A_128 = vector.broadcast %jit3A_127 : f32 to vector<576x576xf32>
    %select_n3A_129 = arith.select %eq3A_126, %dot_general3A_85, %broadcast_in_dim3A_128 : vector<576x576xi1>, vector<576x576xf32>
    %reduce_sum3A_130 = arith.constant dense<0.000000e+00> : vector<576xf32>
    %reduce_sum3A_131 = vector.multi_reduction <add>, %select_n3A_129, %reduce_sum3A_130 [1] : vector<576x576xf32> to vector<576xf32>
    %broadcast_in_dim3A_132 = vector.shape_cast %reduce_sum3A_131 : vector<576xf32> to vector<576x1xf32>
    %max3A = arith.maximumf %broadcast_in_dim3A_93, %broadcast_in_dim3A_106 : vector<576x1xf32>
    %max3A_133 = arith.maximumf %broadcast_in_dim3A_119, %broadcast_in_dim3A_132 : vector<576x1xf32>
    %max3A_134 = arith.maximumf %max3A, %max3A_133 : vector<576x1xf32>
    %sub3A_135 = arith.subf %broadcast_in_dim3A_93, %max3A_134 : vector<576x1xf32>
    %exp3A = math.exp %sub3A_135 : vector<576x1xf32>
    %sub3A_136 = arith.subf %broadcast_in_dim3A_106, %max3A_134 : vector<576x1xf32>
    %exp3A_137 = math.exp %sub3A_136 : vector<576x1xf32>
    %sub3A_138 = arith.subf %broadcast_in_dim3A_119, %max3A_134 : vector<576x1xf32>
    %exp3A_139 = math.exp %sub3A_138 : vector<576x1xf32>
    %sub3A_140 = arith.subf %broadcast_in_dim3A_132, %max3A_134 : vector<576x1xf32>
    %exp3A_141 = math.exp %sub3A_140 : vector<576x1xf32>
    %add3A_142 = arith.addf %exp3A, %exp3A_137 : vector<576x1xf32>
    %add3A_143 = arith.addf %add3A_142, %exp3A_139 : vector<576x1xf32>
    %add3A_144 = arith.addf %add3A_143, %exp3A_141 : vector<576x1xf32>
    %mul3A_145 = arith.mulf %slice3A_69, %slice3A_68 : vector<576x1xf32>
    %mul3A_146 = arith.mulf %slice3A_69, %slice3A_70 : vector<576x1xf32>
    %mul3A_147 = arith.mulf %slice3A_71, %slice3A_68 : vector<576x1xf32>
    %mul3A_148 = arith.mulf %slice3A_71, %slice3A_70 : vector<576x1xf32>
    %div3A = arith.divf %exp3A, %add3A_144 : vector<576x1xf32>
    %mul3A_149 = arith.mulf %div3A, %mul3A_145 : vector<576x1xf32>
    %jit3A_150 = arith.constant 0.000000e+00 : f32
    %broadcast_in_dim3A_151 = vector.shape_cast %mul3A_149 : vector<576x1xf32> to vector<576x1xf32>
    %broadcast_in_dim3A_152 = vector.broadcast %broadcast_in_dim3A_151 : vector<576x1xf32> to vector<576x576xf32>
    %broadcast_in_dim3A_153 = vector.broadcast %jit3A_150 : f32 to vector<576x576xf32>
    %select_n3A_154 = arith.select %eq3A_91, %broadcast_in_dim3A_152, %broadcast_in_dim3A_153 : vector<576x576xi1>, vector<576x576xf32>
    %div3A_155 = arith.divf %exp3A_137, %add3A_144 : vector<576x1xf32>
    %mul3A_156 = arith.mulf %div3A_155, %mul3A_146 : vector<576x1xf32>
    %jit3A_157 = arith.constant 0.000000e+00 : f32
    %broadcast_in_dim3A_158 = vector.shape_cast %mul3A_156 : vector<576x1xf32> to vector<576x1xf32>
    %broadcast_in_dim3A_159 = vector.broadcast %broadcast_in_dim3A_158 : vector<576x1xf32> to vector<576x576xf32>
    %broadcast_in_dim3A_160 = vector.broadcast %jit3A_157 : f32 to vector<576x576xf32>
    %select_n3A_161 = arith.select %eq3A_100, %broadcast_in_dim3A_159, %broadcast_in_dim3A_160 : vector<576x576xi1>, vector<576x576xf32>
    %add3A_162 = arith.addf %select_n3A_154, %select_n3A_161 : vector<576x576xf32>
    %div3A_163 = arith.divf %exp3A_139, %add3A_144 : vector<576x1xf32>
    %mul3A_164 = arith.mulf %div3A_163, %mul3A_147 : vector<576x1xf32>
    %jit3A_165 = arith.constant 0.000000e+00 : f32
    %broadcast_in_dim3A_166 = vector.shape_cast %mul3A_164 : vector<576x1xf32> to vector<576x1xf32>
    %broadcast_in_dim3A_167 = vector.broadcast %broadcast_in_dim3A_166 : vector<576x1xf32> to vector<576x576xf32>
    %broadcast_in_dim3A_168 = vector.broadcast %jit3A_165 : f32 to vector<576x576xf32>
    %select_n3A_169 = arith.select %eq3A_113, %broadcast_in_dim3A_167, %broadcast_in_dim3A_168 : vector<576x576xi1>, vector<576x576xf32>
    %add3A_170 = arith.addf %add3A_162, %select_n3A_169 : vector<576x576xf32>
    %div3A_171 = arith.divf %exp3A_141, %add3A_144 : vector<576x1xf32>
    %mul3A_172 = arith.mulf %div3A_171, %mul3A_148 : vector<576x1xf32>
    %jit3A_173 = arith.constant 0.000000e+00 : f32
    %broadcast_in_dim3A_174 = vector.shape_cast %mul3A_172 : vector<576x1xf32> to vector<576x1xf32>
    %broadcast_in_dim3A_175 = vector.broadcast %broadcast_in_dim3A_174 : vector<576x1xf32> to vector<576x576xf32>
    %broadcast_in_dim3A_176 = vector.broadcast %jit3A_173 : f32 to vector<576x576xf32>
    %select_n3A_177 = arith.select %eq3A_126, %broadcast_in_dim3A_175, %broadcast_in_dim3A_176 : vector<576x576xi1>, vector<576x576xf32>
    %add3A_178 = arith.addf %add3A_170, %select_n3A_177 : vector<576x576xf32>
    %dot_general3A_179 = arith.constant dense<0.000000e+00> : vector<576x192xf32>
    %dot_general3A_180 = tpu.matmul %add3A_178, %slice3A_74, %dot_general3A_179 {dimension_numbers = #tpu.dot_dimension_numbers<[1], [0], [0], [1], [0, 0, 1, 1], [], []>, transpose_lhs_hint = false} : vector<576x576xf32>, vector<576x192xf32>, vector<576x192xf32> -> vector<576x192xf32>
    %broadcast_in_dim3A_181 = arith.constant 1.000000e+00 : f32
    %broadcast_in_dim3A_182 = vector.broadcast %broadcast_in_dim3A_181 : f32 to vector<1x192xf32>
    %concatenate3A_183 = tpu.concatenate %broadcast_in_dim3A_182, %dot_general3A_180 in 0 : vector<1x192xf32>, vector<576x192xf32> -> vector<577x192xf32>
    %swap3A = arith.constant 0 : index
    %swap3A_184 = arith.constant 0 : index
    %swap3A_185 = arith.constant 0 : index
    %swap3A_186 = vector.load %arg11[%swap3A, %swap3A_184, %swap3A_185] : memref<1x577x192xf32, #tpu.memory_space<vmem>>, vector<1x577x192xf32>
    %swap3A_187 = vector.shape_cast %swap3A_186 : vector<1x577x192xf32> to vector<577x192xf32>
    %swap3A_188 = vector.shape_cast %concatenate3A_183 : vector<577x192xf32> to vector<1x577x192xf32>
    tpu.vector_store %arg11[%swap3A, %swap3A_184, %swap3A_185], %swap3A_188 {strides = array<i32>} : memref<1x577x192xf32, #tpu.memory_space<vmem>>, vector<1x577x192xf32>,
    return
  }
  func.func @transform_0(%arg0: i32) -> (i32, i32, i32) {
    %c0_i32 = arith.constant 0 : i32
    %c0_i32_0 = arith.constant 0 : i32
    %c0_i32_1 = arith.constant 0 : i32
    return %arg0, %c0_i32, %c0_i32_0 : i32, i32, i32
  }
  func.func @transform_1(%arg0: i32) -> (i32, i32) {
    %c0_i32 = arith.constant 0 : i32
    %c0_i32_0 = arith.constant 0 : i32
    %c0_i32_1 = arith.constant 0 : i32
    return %c0_i32, %c0_i32_0 : i32, i32
  }
  func.func @transform_2(%arg0: i32) -> (i32, i32) {
    %c0_i32 = arith.constant 0 : i32
    %c0_i32_0 = arith.constant 0 : i32
    %c0_i32_1 = arith.constant 0 : i32
    return %c0_i32, %c0_i32_0 : i32, i32
  }
  func.func @transform_3(%arg0: i32) -> (i32, i32) {
    %c0_i32 = arith.constant 0 : i32
    %c0_i32_0 = arith.constant 0 : i32
    %c0_i32_1 = arith.constant 0 : i32
    return %c0_i32, %c0_i32_0 : i32, i32
  }
  func.func @transform_4(%arg0: i32) -> (i32, i32) {
    %c0_i32 = arith.constant 0 : i32
    %c0_i32_0 = arith.constant 0 : i32
    %c0_i32_1 = arith.constant 0 : i32
    return %c0_i32, %c0_i32_0 : i32, i32
  }
  func.func @transform_5(%arg0: i32) -> (i32, i32) {
    %c0_i32 = arith.constant 0 : i32
    %c0_i32_0 = arith.constant 0 : i32
    %c0_i32_1 = arith.constant 0 : i32
    return %c0_i32, %c0_i32_0 : i32, i32
  }
  func.func @transform_6(%arg0: i32) -> (i32, i32) {
    %c0_i32 = arith.constant 0 : i32
    %c0_i32_0 = arith.constant 0 : i32
    %c0_i32_1 = arith.constant 0 : i32
    return %c0_i32, %c0_i32_0 : i32, i32
  }
  func.func @transform_7(%arg0: i32) -> (i32, i32, i32) {
    %c0_i32 = arith.constant 0 : i32
    %c0_i32_0 = arith.constant 0 : i32
    %c0_i32_1 = arith.constant 0 : i32
    return %arg0, %c0_i32, %c0_i32_0 : i32, i32, i32
  }
  func.func @transform_8(%arg0: i32) -> (i32, i32, i32) {
    %c0_i32 = arith.constant 0 : i32
    %c0_i32_0 = arith.constant 0 : i32
    %c0_i32_1 = arith.constant 0 : i32
    return %arg0, %c0_i32, %c0_i32_0 : i32, i32, i32
  }
  func.func @transform_9(%arg0: i32) -> (i32, i32, i32) {
    %c0_i32 = arith.constant 0 : i32
    %c0_i32_0 = arith.constant 0 : i32
    %c0_i32_1 = arith.constant 0 : i32
    return %arg0, %c0_i32, %c0_i32_0 : i32, i32, i32
  }
  func.func @transform_10(%arg0: i32) -> (i32, i32, i32) {
    %c0_i32 = arith.constant 0 : i32
    %c0_i32_0 = arith.constant 0 : i32
    %c0_i32_1 = arith.constant 0 : i32
    return %arg0, %c0_i32, %c0_i32_0 : i32, i32, i32
  }
}

</mosaic_0001>

<sc_bundles>
// kernel: kernel.4.cloned.1.call-start
scs
__scs_entry_jumppad:
0x0: {  	(pc) =	sbr.rel $0x88, $3  }
0x1: {  	(tag) =	ssettag $0x0;
	lr =	simm.s32 $0x1  }
0x2: {  	[smem:$0x3F97] =	sst lr;
	_ =	strace $0xD0000000  }
0x3: {  	_ = 	snop  }
0x4: {  	_ = 	snop  }
0x5: {  	_ = 	snop  }
0x6: {  	_ = 	snop  }
0x7: {  	_ = 	snop  }
__scs_overlays_trampoline_lowered:
0x8: {  	[smem:$0x3FA6] =	sst s0  }
0x9: {  	[smem:$0x3FA7] =	sst s1  }
0xa: {  	[smem:$0x3FA8] =	sst s2  }
0xb: {  	[smem:$0x3FA9] =	sst s3  }
0xc: {  	[smem:$0x3FAA] =	sst s4  }
0xd: {  	[smem:$0x3FAB] =	sst s5  }
0xe: {  	[smem:$0x3FAC] =	sst s6  }
0xf: {  	[smem:$0x3FAD] =	sst s7  }
0x10: {  	[smem:$0x3FAE] =	sst s8  }
0x11: {  	[smem:$0x3FAF] =	sst s9;
	s0 =	simm.s32 @!p0 $0x0  }
0x12: {  	s1 =	sld [smem:$0x3F95];
	s0 =	simm.s32 @p0 $0x1  }
0x13: {  	[smem:$0x3FB0] =	sst s0;
	s0 =	simm.s32 @!p1 $0x0  }
0x14: {  	s2 =	sld [smem:$0x3F94];
	s0 =	simm.s32 @p1 $0x1  }
0x15: {  	[smem:$0x3FB1] =	sst s0;
	s0 =	simm.s32 @!p2 $0x0  }
0x16: {  	s3 =	sld [smem:$0x3FDB];
	s0 =	simm.s32 @p2 $0x1  }
0x17: {  	s4 =	simm.s32 $0x1BF5;
	[smem:$0x3FB3] =	sst s0  }
0x18: {  	s0 =	sld [smem:$0x3F96];
	_ =	swait.ge [sflag:s4], $0x0  }
0x19: {  	s7 =	sld [smem:$0x3F97]  }
0x1a: {  	s8 =	sadd.s32 $0xFFFFE003, lr  }
0x1b: {  	s9 =	sadd.s32 $0xFFFFFEF7, lr;
	s5 =	simm.s32 $0xFFFFFFFF;
	p2 =	slt.u32 s8, $0xFFFFF086  }
0x1c: {  	p1 =	slt.u32 s9, $0xF7A;
	s5 =	simm.s32 @!p2 $0x0  }
0x1d: {  	s5 =	simm.s32 @p1 $0x1;
	p0 =	seq.s32 s7, s2  }
0x1e: {  	s7 =	smul.u32 @!p0 $0xF7A, s2;
	p2 =	seq.s32 @!p0 s5, $0x0  }
0x1f: {  	s9 =	smul.u32 $0xF7A, s1;
	s8 =	simm.s32 @!p0 $0x1BF5;
	p2 =	por !p2, p0  }
0x20: {  	[sflag:s8] =	ssyncset.s32 @!p0 $0xFFFFF086;
	s6 =	sadd.s32 @!p0 s3, s7;
	s7 =	simm.s32 @!p0 $0x108  }
0x21: {  	s3 =	sadd.s32 s3, s9;
	s6 =	sadd.s32 @!p0 $0x88, s6;
	s7 =	simm.s32 @p2 $0x1082  }
0x22: {  	[simem:s7], [sflag:s8] =	dma.local @!p0 [hbm:s6], $0xF7A  }
0x23: {  	s9 =	sor.u32 $0xD0000000, s2;
	s6 =	simm.s32 $0x108;
	_ =	swait.ge @!p0 [sflag:s8], $0x0  }
0x24: {  	s3 =	sadd.s32 $0x88, s3;
	s6 =	simm.s32 @!p1 $0x1082;
	[sflag:s4] =	ssyncset.s32 $0xFFFFF086  }
0x25: {  	[simem:s6], [sflag:s4] =	dma.local [hbm:s3], $0xF7A  }
0x26: {  	[smem:$0x3F97] =	sst s1;
	(tag) =	ssettag s2;
	_ =	strace s9  }
0x27: {  	s1 =	sld [smem:$0x3FA7]  }
0x28: {  	s2 =	sld [smem:$0x3FA8]  }
0x29: {  	s4 =	sld [smem:$0x3FAA]  }
0x2a: {  	p0 =	seq.s32 s5, $0x0;
	s5 =	sld [smem:$0x3FAB]  }
0x2b: {  	s6 =	sld [smem:$0x3FAC]  }
0x2c: {  	s7 =	sld [smem:$0x3FAD]  }
0x2d: {  	s3 =	simm.s32 $0x108;
	s8 =	sld [smem:$0x3FAE]  }
0x2e: {  	s3 =	simm.s32 @!p0 $0x1082;
	s9 =	sld [smem:$0x3FAF]  }
0x2f: {  	lr =	sadd.s32 s0, s3;
	s0 =	sld [smem:$0x3FA6]  }
0x30: {  	s3 =	sld [smem:$0x3FA9]  }
0x31: {  	[smem:$0x3FB2] =	sst s10  }
0x32: {  	s10 =	sld [smem:$0x3FB0];
	_ =	sdelay $0x3  }
0x33: {  	p0 =	seq.s32 s10, $0x1;
	s10 =	sld [smem:$0x3FB2];
	_ =	sdelay $0x3  }
0x34: {  	[smem:$0x3FB2] =	sst s10  }
0x35: {  	s10 =	sld [smem:$0x3FB1];
	_ =	sdelay $0x3  }
0x36: {  	p1 =	seq.s32 s10, $0x1;
	s10 =	sld [smem:$0x3FB2];
	_ =	sdelay $0x3  }
0x37: {  	[smem:$0x3FB2] =	sst s10  }
0x38: {  	s10 =	sld [smem:$0x3FB3]  }
0x39: {  	_ = 	snop;
	(pc) =	sbr.ind lr, $3  }
0x3a: {  	_ = 	snop  }
0x3b: {  	_ = 	snop  }
0x3c: {  	p2 =	seq.s32 s10, $0x1;
	s10 =	sld [smem:$0x3FB2]  }
0x3d: {  	_ =	shalt  }
0x3e: {  	_ =	shalt  }
0x3f: {  	_ =	shalt  }
0x40: {  	_ =	shalt  }
0x41: {  	_ =	shalt  }
0x42: {  	_ =	shalt  }
0x43: {  	_ =	shalt  }
0x44: {  	_ =	shalt  }
0x45: {  	_ =	shalt  }
0x46: {  	_ =	shalt  }
0x47: {  	_ =	shalt  }
0x48: {  	_ =	shalt  }
0x49: {  	_ =	shalt  }
0x4a: {  	_ =	shalt  }
0x4b: {  	_ =	shalt  }
0x4c: {  	_ =	shalt  }
0x4d: {  	_ =	shalt  }
0x4e: {  	_ =	shalt  }
0x4f: {  	_ =	shalt  }
0x50: {  	_ =	shalt  }
0x51: {  	_ =	shalt  }
0x52: {  	_ =	shalt  }
0x53: {  	_ =	shalt  }
0x54: {  	_ =	shalt  }
0x55: {  	_ =	shalt  }
0x56: {  	_ =	shalt  }
0x57: {  	_ =	shalt  }
0x58: {  	_ =	shalt  }
0x59: {  	_ =	shalt  }
0x5a: {  	_ =	shalt  }
0x5b: {  	_ =	shalt  }
0x5c: {  	_ =	shalt  }
0x5d: {  	_ =	shalt  }
0x5e: {  	_ =	shalt  }
0x5f: {  	_ =	shalt  }
0x60: {  	_ =	shalt  }
0x61: {  	_ =	shalt  }
0x62: {  	_ =	shalt  }
0x63: {  	_ =	shalt  }
0x64: {  	_ =	shalt  }
0x65: {  	_ =	shalt  }
0x66: {  	_ =	shalt  }
0x67: {  	_ =	shalt  }
0x68: {  	_ =	shalt  }
0x69: {  	_ =	shalt  }
0x6a: {  	_ =	shalt  }
0x6b: {  	_ =	shalt  }
0x6c: {  	_ =	shalt  }
0x6d: {  	_ =	shalt  }
0x6e: {  	_ =	shalt  }
0x6f: {  	_ =	shalt  }
0x70: {  	_ =	shalt  }
0x71: {  	_ =	shalt  }
0x72: {  	_ =	shalt  }
0x73: {  	_ =	shalt  }
0x74: {  	_ =	shalt  }
0x75: {  	_ =	shalt  }
0x76: {  	_ =	shalt  }
0x77: {  	_ =	shalt  }
0x78: {  	_ =	shalt  }
0x79: {  	_ =	shalt  }
0x7a: {  	_ =	shalt  }
0x7b: {  	_ =	shalt  }
0x7c: {  	_ =	shalt  }
0x7d: {  	_ =	shalt  }
0x7e: {  	_ =	shalt  }
0x7f: {  	_ =	shalt  }
0x80: {  	_ =	shalt  }
0x81: {  	_ =	shalt  }
0x82: {  	_ =	shalt  }
0x83: {  	_ =	shalt  }
0x84: {  	_ =	shalt  }
0x85: {  	_ =	shalt  }
0x86: {  	_ =	shalt  }
0x87: {  	_ =	shalt  }
.Lfunc_end0:
.L_simem_size_0:
called_computation_lowered:
.L_overlay_start_0:
0x88: {  	s2 =	sld [smem:$0x3FD9]  }
0x89: {  	s3 =	sld [smem:$0x3FFE];
	_ =	sdelay $0x1  }
0x8a: {  	s1 =	srdreg.scid  }
0x8b: {  	s0 =	sand.u32 $0x1, s1  }
0x8c: {  	s17 =	sshll.u32 s0, $0xA;
	s2 =	sadd.s32 s3, s2  }
0x8d: {  	s2 =	sadd.s32 s2, s17  }
0x8e: {  	[smem:$0x3FBE] =	sst s2  }
0x8f: {  	_ = 	snop  }
0x90: {  	s2 =	sld [smem:$0x3FC8]  }
0x91: {  	s18 =	sld [smem:$0x3FD0];
	(tm) =	ssettm $0x1  }
0x92: {  	s4 =	sld [smem:$0x3FFB];
	_ =	sdelay $0x3  }
0x93: {  	_ =	strace s4  }
0x94: {  	s4 =	sld [smem:$0x3FFC];
	_ =	sdelay $0x3  }
0x95: {  	_ =	strace s4  }
0x96: {  	s4 =	sld [smem:$0x3FFD];
	_ =	sdelay $0x3  }
0x97: {  	_ =	strace s4  }
0x98: {  	_ =	strace $0x8FFFFFFF  }
0x99: {  	s19 =	sld [smem:$0x3FDB];
	_ =	sdelay $0x1  }
0x9a: {  	s5 =	simm.s32 $_scs_section_size  }
0x9b: {  	s6 =	simm.s32 $_size__tile_overlayer_lowered;
	s7 =	simm.s32 $_tile_overlayer_lowered  }
0x9c: {  	s22 =	simm.s32 $0x1BFF;
	s21 =	sshll.u32 s7, $0x1;
	s4 =	sadd.s32 s5, s19  }
0x9d: {  	s8 =	simm.s32 $0x0;
	s20 =	sshll.u32 s6, $0x1;
	s6 =	sadd.s32 s21, s4  }
0x9e: {  	[timem:s8], [sflag:s22] =	dma.local [hbm:s6], s20  }
0x9f: {  	_ =	swait.ge [sflag:s22], s20  }
0xa0: {  	s5 =	ssub.s32 $0x0, s20;
	[sflag:s22] =	ssyncset.done $0x0  }
0xa1: {  	[sflag:s22] =	ssyncadd.s32 s5;
	_ =	sdelay $0x1  }
0xa2: {  	s23 =	simm.s32 $0x1B8B  }
0xa3: {  	_ =	swait.ge [sflag:s23], $0x1  }
0xa4: {  	[sflag:s23] =	ssyncset.done $0x0  }
0xa5: {  	s25 =	simm.s32 $0x1B8E;
	s24 =	sld [smem:$0x3FFE];
	[sflag:s23] =	ssyncadd.s32 $0xFFFFFFFF  }
0xa6: {  	s26 =	simm.s32 $execute0_lowered;
	[smem:$0x3FD2] =	sst s25  }
0xa7: {  	s6 =	sshll.u32 s26, $0x1;
	_ =	strace $0x80000046;
	[dreg:$0x1] =	wrdreg $0xFFFFFFFF  }
0xa8: {  	s28 =	simm.s32 $_size_execute0_lowered;
	s4 =	sadd.s32 s4, s6;
	[dreg:$0x0] =	wrdreg $0x0  }
0xa9: {  	s6 =	sshll.u32 s28, $0x1;
	[dreg:$0x2] =	wrdreg s4  }
0xaa: {  	[dreg:$0x3] =	wrdreg s6  }
0xab: {  	[dreg:$0x4] =	wrdreg $0xC0  }
0xac: {  	_ =	task [dreg:s8], $0x5FFFF  }
0xad: {  	[dreg:$0x1] =	wrdreg $0xFFFFFFFF  }
0xae: {  	[dreg:$0x0] =	wrdreg $0x60  }
0xaf: {  	[dreg:$0x2] =	wrdreg s24  }
0xb0: {  	[dreg:$0x3] =	wrdreg s2  }
0xb1: {  	[dreg:$0x4] =	wrdreg s18  }
0xb2: {  	[dreg:$0x5] =	wrdreg $0x9  }
0xb3: {  	_ =	task.clear_ibuf [dreg:s8], $0x6FFFF;
	_ =	strace $0x90000046  }
0xb4: {  	s29 =	simm.s32 $0x9;
	_ =	strace $0x80000048  }
0xb5: {  	_ =	swait.ge [sflag:s29], $0x1  }
0xb6: {  	[sflag:s29] =	ssyncadd.s32 $0xFFFFFFFF  }
0xb7: {  	_ =	strace $0x90000048  }
0xb8: {  	_ =	sfence  }
0xb9: {  	s30 =	sld [smem:$0x0];
	_ =	sdelay $0x2  }
0xba: {  	s31 =	sshll.u32 s1, $0xD;
	s1 =	sshrl.u32 s1, $0x2  }
0xbb: {  	s3 =	sand.u32 $0x4000, s31;
	s1 =	sadd.s32 s1, s30  }
0xbc: {  	s0 =	sor.u32 s3, s0;
	s1 =	sshll.u32 s1, $0x11  }
0xbd: {  	s0 =	sor.u32 s1, s0  }
0xbe: {  	s0 =	sadd.s32 $0x8F2B, s0  }
0xbf: {  	[sflag:s0] =	ssyncadd.remote.s32 $0x1  }
0xc0: {  	_ =	sfence.sel $0xFFFF  }
0xc1: {  	[dreg:$0x0] =	wrdreg $0xFFFFFFFF;
	(pc) =	sbr.abs _section_cstart, $3  }
0xc2: {  	[dreg:$0x1] =	wrdreg $0xFFFFFFFF  }
0xc3: {  	_ =	task.clear_ibuf [dreg:s8], $0x2FFFF;
	_ =	strace $0x9FFFFFFF  }
0xc4: {  	(tm) =	ssettm $0x7FFFFFFF  }
0xc5: {  	_ =	shalt  }
tec
execute0_lowered:
.L_overlay_start_1:
0x0: {  	(tag) =	ssettag $0x1  }
0x1: {  	s1 =	stileid.u32  }
0x2: {  	p0 =	sgt.u32 s1, $0x3  }
.Ltmp0:
0x3: {  	s19 =	rddreg [dreg:$0x0];
	(pc) =	sbr.rel @p0 .LBB2_4-.Ltmp0, $4  }
0x4: {  	s2 =	rddreg [dreg:$0x1]  }
0x5: {  	s22 =	rddreg [dreg:$0x2];
	s3 =	simm.s32 $0x0  }
0x6: {  	[smem:$0x7FF] =	sst s3  }
0x7: {  	s0 =	rddreg [dreg:$0x3];
	_ =	strace $0x80000047  }
0x8: {  	s5 =	srdreg.scid;
	s4 =	simm.s32 $0x2  }
0x9: {  	[tilespmem:s3], [sflag:$0x2] =	stream.linear.gather [hbm4b:s2+s3], $0x80, $0x38;
	[tilespmem:$0x4880] =	vst v63  }
0xa: {  	s30 =	sshll.u32 s1, $0x5;
	s20 =	sand.u32 $0x1, s5;
	_ =	swait.ge [sflag:s4], $0x80  }
0xb: {  	s5 =	sand.u32 $0x20, s30;
	s6 =	sshll.u32 s20, $0x4;
	[sflag:s4] =	ssyncset.done $0x0  }
0xc: {  	s5 =	sor.u32 s6, s5;
	[sflag:s4] =	ssyncadd.s32 $0xFFFFFF80  }
0xd: {  	v0 =	vld [tilespmem:s5+$0x0];
	_ =	sdelay $0x4  }
0xe: {  	v1 =	vshrl.u32 v0, $0x3  }
0xf: {  	v1 =	vmul.u32 $0x48, v1  }
0x10: {  	v2 =	vlaneseq.u32;
	v3 =	vand.u32 $0x7, v0  }
0x11: {  	v4 =	vshrl.u32 v2, $0x3;
	v0 =	vand.u32 $0x7, v2;
	v3 =	vor.u32 v3, v1  }
0x12: {  	v1 =	vmul.u32 $0x8, v4;
	v63 =	vperm.xlane v3, v0;
	_ =	sdelay $0x1  }
0x13: {  	v4 =	vadd.s32 v1, v63;
	_ =	sdelay $0x2  }
0x14: {  	s7 =	sadd.s32 $0x4000, s19;
	p0 =	slt.u32 s1, $0x2;
	s6 =	sadd.s32 $0x163A00, s19  }
0x15: {  	vm0 =	vmmov $0xffff;
	s6 =	smov.u32 @p0 s7;
	s7 =	simm.s32 $0x80  }
0x16: {  	[tilespmem:s7], [sflag:$0x1] =	stream.indirect_vreg.gather [hbm4b:s6+s3], $0x80, v4, vm0, $0xb8;
	[tilespmem:$0x4880] =	vst v63  }
0x17: {  	s9 =	simm.s32 $0x880;
	s8 =	sadd.s32 $0x100, s6  }
0x18: {  	v2 =	vor.u32 $0x8, v2;
	[tilespmem:s9], [sflag:$0x1] =	stream.indirect_vreg.gather [hbm4b:s8+s3], $0x80, v4, vm0, $0xb8;
	[tilespmem:$0x4880] =	vst v63  }
0x19: {  	s11 =	simm.s32 $0x1080;
	s10 =	sadd.s32 $0x200, s6;
	v3 =	vperm.xlane v3, v2  }
0x1a: {  	[tilespmem:s11], [sflag:$0x1] =	stream.indirect_vreg.gather [hbm4b:s10+s3], $0x80, v4, vm0, $0xb8;
	[tilespmem:$0x4880] =	vst v63  }
0x1b: {  	s13 =	simm.s32 $0x1880;
	s12 =	sadd.s32 $0x300, s6;
	v3 =	vadd.s32 v1, v3  }
0x1c: {  	[tilespmem:s13], [sflag:$0x1] =	stream.indirect_vreg.gather [hbm4b:s12+s3], $0x80, v4, vm0, $0xb8;
	[tilespmem:$0x4880] =	vst v63  }
0x1d: {  	vm1 =	vmmov $0xff;
	s15 =	simm.s32 $0x2080;
	s14 =	sadd.s32 $0x400, s6  }
0x1e: {  	[tilespmem:s15], [sflag:$0x1] =	stream.indirect_vreg.gather [hbm4b:s14+s3], $0x80, v4, vm1, $0xb8;
	[tilespmem:$0x4880] =	vst v63  }
0x1f: {  	s16 =	simm.s32 $0x2480  }
0x20: {  	[tilespmem:s16], [sflag:$0x1] =	stream.indirect_vreg.gather [hbm4b:s6+s3], $0x80, v3, vm0, $0xb8;
	[tilespmem:$0x4880] =	vst v63  }
0x21: {  	s17 =	simm.s32 $0x2C80;
	s18 =	simm.s32 $0x3480;
	s25 =	ssub.s32 $0x2, s20  }
0x22: {  	[tilespmem:s17], [sflag:$0x1] =	stream.indirect_vreg.gather [hbm4b:s8+s3], $0x80, v3, vm0, $0xb8;
	[tilespmem:$0x4880] =	vst v63  }
0x23: {  	s23 =	sadd.s32 $0x2C3400, s19;
	s21 =	simm.s32 $0x1;
	s26 =	sshrl.u32 s25, $0x1  }
0x24: {  	[tilespmem:s18], [sflag:$0x1] =	stream.indirect_vreg.gather [hbm4b:s10+s3], $0x80, v3, vm0, $0xb8;
	[tilespmem:$0x4880] =	vst v63  }
0x25: {  	s23 =	smov.u32 @p0 s22;
	s19 =	simm.s32 $0x3C80;
	s25 =	ssub.s32 s25, s26  }
0x26: {  	[tilespmem:s19], [sflag:$0x1] =	stream.indirect_vreg.gather [hbm4b:s12+s3], $0x80, v3, vm0, $0xb8;
	[tilespmem:$0x4880] =	vst v63  }
0x27: {  	s20 =	simm.s32 $0x4480;
	s24 =	sshrl.u32 s5, $0x3;
	s31 =	smax.u32 s25, $0x1  }
0x28: {  	[tilespmem:s20], [sflag:$0x1] =	stream.indirect_vreg.gather [hbm4b:s14+s3], $0x80, v3, vm1, $0xb8;
	[tilespmem:$0x4880] =	vst v63  }
0x29: {  	s24 =	smul.u32 $0x480, s24;
	p0 =	sne.s32 s31, $0x1;
	_ =	swait.ge [sflag:s21], $0x4800  }
.Ltmp1:
0x2a: {  	[sflag:s21] =	ssyncset.done $0x0;
	(pc) =	sbr.rel @!p0 .LBB2_3-.Ltmp1, $4  }
0x2b: {  	s22 =	sadd.s32 s23, s24;
	[sflag:s21] =	ssyncadd.s32 $0xFFFFB800  }
0x2c: {  	[hbm4b:s22+s3] =	stream.linear.scatter [tilespmem:s7], [sflag:$0x2], $0x4800, $0x38;
	[tilespmem:$0x4880] =	vst v63  }
0x2d: {  	_ =	swait.ge [sflag:s4], $0x4800  }
0x2e: {  	s23 =	sadd.s32 $0xFFFFFFFF, s31;
	[sflag:s4] =	ssyncset.done $0x0  }
.LBB2_2:
0x2f: {  	p0 =	sne.s32 s23, $0x1;
	s23 =	sadd.s32 $0xFFFFFFFF, s23;
	[sflag:s4] =	ssyncadd.s32 $0xFFFFB800  }
0x30: {  	[tilespmem:s3], [sflag:$0x2] =	stream.linear.gather [hbm4b:s2+s3], $0x80, $0x38;
	[tilespmem:$0x4880] =	vst v63  }
0x31: {  	_ =	swait.ge [sflag:s4], $0x80  }
0x32: {  	[sflag:s4] =	ssyncset.done $0x0  }
0x33: {  	[sflag:s4] =	ssyncadd.s32 $0xFFFFFF80  }
0x34: {  	v3 =	vld [tilespmem:s5+$0x0];
	_ =	sdelay $0x4  }
0x35: {  	v4 =	vshrl.u32 v3, $0x3  }
0x36: {  	v4 =	vmul.u32 $0x48, v4  }
0x37: {  	v3 =	vand.u32 $0x7, v3  }
0x38: {  	v3 =	vor.u32 v3, v4  }
0x39: {  	v4 =	vperm.xlane v3, v0;
	v3 =	vperm.xlane v3, v2;
	_ =	sdelay $0x1  }
0x3a: {  	v4 =	vadd.s32 v1, v4;
	_ =	sdelay $0x4  }
0x3b: {  	[tilespmem:s7], [sflag:$0x1] =	stream.indirect_vreg.gather [hbm4b:s6+s3], $0x80, v4, vm0, $0xb8;
	[tilespmem:$0x4880] =	vst v63  }
0x3c: {  	_ = 	snop  }
0x3d: {  	[tilespmem:s9], [sflag:$0x1] =	stream.indirect_vreg.gather [hbm4b:s8+s3], $0x80, v4, vm0, $0xb8;
	[tilespmem:$0x4880] =	vst v63  }
0x3e: {  	_ = 	snop  }
0x3f: {  	[tilespmem:s11], [sflag:$0x1] =	stream.indirect_vreg.gather [hbm4b:s10+s3], $0x80, v4, vm0, $0xb8;
	[tilespmem:$0x4880] =	vst v63  }
0x40: {  	v3 =	vadd.s32 v1, v3  }
0x41: {  	[tilespmem:s13], [sflag:$0x1] =	stream.indirect_vreg.gather [hbm4b:s12+s3], $0x80, v4, vm0, $0xb8;
	[tilespmem:$0x4880] =	vst v63  }
0x42: {  	_ = 	snop  }
0x43: {  	[tilespmem:s15], [sflag:$0x1] =	stream.indirect_vreg.gather [hbm4b:s14+s3], $0x80, v4, vm1, $0xb8;
	[tilespmem:$0x4880] =	vst v63  }
0x44: {  	_ = 	snop  }
0x45: {  	[tilespmem:s16], [sflag:$0x1] =	stream.indirect_vreg.gather [hbm4b:s6+s3], $0x80, v3, vm0, $0xb8;
	[tilespmem:$0x4880] =	vst v63  }
0x46: {  	_ = 	snop  }
0x47: {  	[tilespmem:s17], [sflag:$0x1] =	stream.indirect_vreg.gather [hbm4b:s8+s3], $0x80, v3, vm0, $0xb8;
	[tilespmem:$0x4880] =	vst v63  }
0x48: {  	_ = 	snop  }
0x49: {  	[tilespmem:s18], [sflag:$0x1] =	stream.indirect_vreg.gather [hbm4b:s10+s3], $0x80, v3, vm0, $0xb8;
	[tilespmem:$0x4880] =	vst v63  }
0x4a: {  	_ = 	snop  }
0x4b: {  	[tilespmem:s19], [sflag:$0x1] =	stream.indirect_vreg.gather [hbm4b:s12+s3], $0x80, v3, vm0, $0xb8;
	[tilespmem:$0x4880] =	vst v63  }
0x4c: {  	_ = 	snop  }
0x4d: {  	[tilespmem:s20], [sflag:$0x1] =	stream.indirect_vreg.gather [hbm4b:s14+s3], $0x80, v3, vm1, $0xb8;
	[tilespmem:$0x4880] =	vst v63  }
0x4e: {  	_ =	swait.ge [sflag:s21], $0x4800  }
.Ltmp2:
0x4f: {  	[sflag:s21] =	ssyncset.done $0x0;
	(pc) =	sbr.rel @p0 .LBB2_2-.Ltmp2, $4  }
0x50: {  	[sflag:s21] =	ssyncadd.s32 $0xFFFFB800  }
0x51: {  	[hbm4b:s22+s3] =	stream.linear.scatter [tilespmem:s7], [sflag:$0x2], $0x4800, $0x38;
	[tilespmem:$0x4880] =	vst v63  }
0x52: {  	_ =	swait.ge [sflag:s4], $0x4800  }
0x53: {  	[sflag:s4] =	ssyncset.done $0x0  }
.LBB2_3:
0x54: {  	[sflag:s4] =	ssyncadd.s32 $0xFFFFB800  }
.LBB2_4:
0x55: {  	_ =	sfence.sel $0x180000  }
0x56: {  	[bflag:$0x0] =	sbarrier.arrive $0xFFFF  }
0x57: {  	p0 =	sne.s32 s1, $0x0;
	_ =	strace $0x90000047  }
0x58: {  	s0 =	sadd.s32 @!p0 $0x100000, s0;
	[bflag:$0x2] =	sbarrier.arrive $0xFFFF  }
0x59: {  	[sflag:s0] =	ssyncadd.tile.s32 @!p0 $0x1;
	_ =	shalt  }
.Lfunc_end2:
_tile_overlayer_lowered:
.L_overlay_start_2:
0x5a: {  	(tag) =	ssettag $0x2  }
0x5b: {  	s0 =	rddreg [dreg:$0x0];
	s2 =	stileid.u32  }
0x5c: {  	s1 =	rddreg [dreg:$0x1];
	p0 =	sne.s32 s2, $0x0  }
0x5d: {  	s3 =	rddreg [dreg:$0x2];
	[bflag:$0x3] =	sbarrier.arrive $0xFFFF;
	s2 =	simm.s32 @!p0 $0x1C02  }
0x5e: {  	[timem:s3], [sflag:s2] =	dma.local @!p0 [hbm:s0], s1  }
0x5f: {  	s0 =	simm.s32 @!p0 $0x2  }
0x60: {  	_ =	swait.ge @!p0 [sflag:s0], s1  }
0x61: {  	s1 =	ssub.s32 @!p0 $0x0, s1;
	[sflag:s0] =	ssyncset.done @!p0 $0x0  }
0x62: {  	[sflag:s0] =	ssyncadd.s32 @!p0 s1  }
0x63: {  	[bflag:$0x3] =	sbarrier.arrive $0xFFFF  }
0x64: {  	_ =	shalt  }

</sc_bundles>
